<compile_context>
chip_gen: v7x
topology: tpu7x:2x2x1
jax: 0.10.2.dev20260603
libtpu: 0.0.44.dev20260713+nightly
codegen_flags: <defaults>
</compile_context>

<pallas_src>
import functools

import jax
import jax.numpy as jnp
from jax import lax
from jax.experimental import pallas as pl
from jax.experimental.pallas import tpu as pltpu
from jax.experimental.pallas import tpu_sc as plsc

_BATCH = 16384
_NC = 2
_NS = 16
_NW = _NC * _NS
_BPW = _BATCH // _NW


def _sc_gather(student_ids, question_ids, ability, difficulty):
    mesh = plsc.VectorSubcoreMesh(core_axis_name="c", subcore_axis_name="s")

    @functools.partial(
        pl.kernel,
        mesh=mesh,
        out_type=(
            jax.ShapeDtypeStruct((_BATCH,), jnp.float32),
            jax.ShapeDtypeStruct((_BATCH,), jnp.float32),
        ),
        scratch_types=[
            pltpu.VMEM((_BPW,), jnp.int32),
            pltpu.VMEM((_BPW,), jnp.int32),
            pltpu.VMEM((_BPW,), jnp.float32),
            pltpu.VMEM((_BPW,), jnp.float32),
            pltpu.SemaphoreType.DMA,
            pltpu.SemaphoreType.DMA,
            pltpu.SemaphoreType.DMA,
            pltpu.SemaphoreType.DMA,
            pltpu.SemaphoreType.DMA,
            pltpu.SemaphoreType.DMA,
            pltpu.SemaphoreType.DMA,
            pltpu.SemaphoreType.DMA,
            pltpu.SemaphoreType.DMA,
        ],
    )
    def gather_kernel(sid_hbm, qid_hbm, ab_hbm, df_hbm, a_out, d_out,
                      sidx_v, qidx_v, a_v, d_v,
                      s_si0, s_si1, s_qi0, s_qi1,
                      s_a0, s_a1, s_d0, s_d1, s_wb):
        wid = lax.axis_index("s") * _NC + lax.axis_index("c")
        base = wid * _BPW
        ch = _BPW // 2
        lo, hi = pl.ds(0, ch), pl.ds(ch, ch)
        glo, ghi = pl.ds(base, ch), pl.ds(base + ch, ch)
        c_si0 = pltpu.async_copy(sid_hbm.at[glo], sidx_v.at[lo], s_si0)
        c_qi0 = pltpu.async_copy(qid_hbm.at[glo], qidx_v.at[lo], s_qi0)
        c_si1 = pltpu.async_copy(sid_hbm.at[ghi], sidx_v.at[hi], s_si1)
        c_qi1 = pltpu.async_copy(qid_hbm.at[ghi], qidx_v.at[hi], s_qi1)
        c_si0.wait()
        c_a0 = pltpu.async_copy(ab_hbm.at[sidx_v.at[lo]], a_v.at[lo], s_a0)
        c_qi0.wait()
        c_d0 = pltpu.async_copy(df_hbm.at[qidx_v.at[lo]], d_v.at[lo], s_d0)
        c_si1.wait()
        c_a1 = pltpu.async_copy(ab_hbm.at[sidx_v.at[hi]], a_v.at[hi], s_a1)
        c_qi1.wait()
        c_d1 = pltpu.async_copy(df_hbm.at[qidx_v.at[hi]], d_v.at[hi], s_d1)
        c_a0.wait()
        w0 = pltpu.async_copy(a_v.at[lo], a_out.at[glo], s_wb)
        c_d0.wait()
        w1 = pltpu.async_copy(d_v.at[lo], d_out.at[glo], s_wb)
        c_a1.wait()
        w2 = pltpu.async_copy(a_v.at[hi], a_out.at[ghi], s_wb)
        c_d1.wait()
        w3 = pltpu.async_copy(d_v.at[hi], d_out.at[ghi], s_wb)
        w0.wait()
        w1.wait()
        w2.wait()
        w3.wait()

    return gather_kernel(student_ids, question_ids, ability, difficulty)


def _tc_finish(a_gathered, d_gathered, labels):
    rows = 128
    cols = _BATCH // rows

    def body(a_ref, d_ref, l_ref, pred_ref, loss_ref):
        sa = jax.nn.softplus(a_ref[...])
        sd = jax.nn.softplus(d_ref[...])
        p = sa - sd
        pred_ref[...] = p
        t = (jnp.maximum(p, 0.0) - p * l_ref[...]
             + jnp.log1p(jnp.exp(-jnp.abs(p))))
        loss_ref[...] = jnp.sum(t).reshape(1, 1) * (1.0 / _BATCH)

    pred, loss = pl.pallas_call(
        body,
        out_shape=(
            jax.ShapeDtypeStruct((rows, cols), jnp.float32),
            jax.ShapeDtypeStruct((1, 1), jnp.float32),
        ),
    )(a_gathered.reshape(rows, cols),
      d_gathered.reshape(rows, cols),
      labels.reshape(rows, cols))
    return loss[0, 0], pred.reshape(_BATCH)


def kernel(student_ids, question_ids_collapsed, labels, ability, difficulty):
    a_vals, d_vals = _sc_gather(student_ids, question_ids_collapsed,
                                ability, difficulty)
    avg_loss, predictions = _tc_finish(a_vals, d_vals, labels)
    return (avg_loss, predictions)

# --- scband reference (transcript-rebuilt; emitter-appended) ---
"""Pipeline reference for scband-irt-45999099740746 (READ-ONLY COPY).

The authoritative reference and input builder live on the scoring server;
editing this copy changes nothing except your own understanding.
"""

import jax, jax.numpy as jnp
import numpy as np

NUM_STUDENTS = 1000000
NUM_QUESTIONS = 100000
BATCH = 16384


def setup_inputs(seed: int = 0) -> dict:
    key = jax.random.key(seed)
    k1, k2, k3, k4, k5 = jax.random.split(key, 5)
    student_ids = jax.random.randint(k1, (BATCH,), 0, NUM_STUDENTS, dtype=jnp.int64 if jax.config.jax_enable_x64 else jnp.int32).astype(jnp.int32)
    question_ids_collapsed = jax.random.randint(k2, (BATCH,), 0, NUM_QUESTIONS).astype(jnp.int32)
    labels = jax.random.uniform(k3, (BATCH,), dtype=jnp.float32)
    ability = 0.1 * jax.random.normal(k4, (NUM_STUDENTS,), dtype=jnp.float32)
    difficulty = 0.1 * jax.random.normal(k5, (NUM_QUESTIONS,), dtype=jnp.float32)
    return {
        "student_ids": student_ids,
        "question_ids_collapsed": question_ids_collapsed,
        "labels": labels,
        "ability": ability,
        "difficulty": difficulty,
    }


def reference(student_ids, question_ids_collapsed, labels, ability, difficulty):
    # IRT forward: softplus(ability[sid]) - softplus(difficulty[qid]), behavior_model is None
    a = jax.nn.softplus(jnp.take(ability, student_ids, axis=0))
    d = jax.nn.softplus(jnp.take(difficulty, question_ids_collapsed, axis=0))
    predictions = a - d
    # BCEWithLogitsLoss(reduction='mean'), numerically stable form
    avg_loss = jnp.mean(
        jnp.maximum(predictions, 0.0)
        - predictions * labels
        + jnp.log1p(jnp.exp(-jnp.abs(predictions)))
    )
    return (avg_loss, predictions)

if __name__ == "__main__":
    import jax
    _d = setup_inputs()
    print(jax.jit(kernel)(*tuple(_d.values())))

</pallas_src>

<mosaic_0001>
#map = affine_map<(d0, d1) -> (0)>
module attributes {stable_mosaic.version = 14 : i64} {
  func.func @gather_kernel(%arg0: i32, %arg1: i32, %arg2: memref<16384xi32, #tpu.memory_space<hbm>>, %arg3: memref<16384xi32, #tpu.memory_space<hbm>>, %arg4: memref<1000000xf32, #tpu.memory_space<hbm>>, %arg5: memref<100000xf32, #tpu.memory_space<hbm>>, %arg6: memref<16384xf32, #tpu.memory_space<hbm>>, %arg7: memref<16384xf32, #tpu.memory_space<hbm>>, %arg8: memref<512xi32, #tpu.memory_space<vmem>>, %arg9: memref<512xi32, #tpu.memory_space<vmem>>, %arg10: memref<512xf32, #tpu.memory_space<vmem>>, %arg11: memref<512xf32, #tpu.memory_space<vmem>>, %arg12: memref<!tpu.dma_semaphore, #tpu.memory_space<semaphore_mem>>, %arg13: memref<!tpu.dma_semaphore, #tpu.memory_space<semaphore_mem>>, %arg14: memref<!tpu.dma_semaphore, #tpu.memory_space<semaphore_mem>>, %arg15: memref<!tpu.dma_semaphore, #tpu.memory_space<semaphore_mem>>, %arg16: memref<!tpu.dma_semaphore, #tpu.memory_space<semaphore_mem>>, %arg17: memref<!tpu.dma_semaphore, #tpu.memory_space<semaphore_mem>>, %arg18: memref<!tpu.dma_semaphore, #tpu.memory_space<semaphore_mem>>, %arg19: memref<!tpu.dma_semaphore, #tpu.memory_space<semaphore_mem>>, %arg20: memref<!tpu.dma_semaphore, #tpu.memory_space<semaphore_mem>>) attributes {dimension_semantics = [#tpu.dimension_semantics<core_parallel>, #tpu.dimension_semantics<subcore_parallel>], iteration_bounds = array<i64: 2, 16>, scalar_prefetch = 0 : i64, scratch_operands = 13 : i64, tpu.core_type = #tpu.core_type<sc_vector_subcore>, window_params = [{transform_indices = #map}, {transform_indices = #map}, {transform_indices = #map}, {transform_indices = #map}, {transform_indices = #map}, {transform_indices = #map}]} {
    %mul3A = arith.constant 2 : i32
    %mul3A_0 = arith.muli %arg1, %mul3A : i32
    %add3A = arith.addi %mul3A_0, %arg0 : i32
    %mul3A_1 = arith.constant 512 : i32
    %mul3A_2 = arith.muli %add3A, %mul3A_1 : i32
    %add3A_3 = arith.constant 256 : i32
    %add3A_4 = arith.addi %mul3A_2, %add3A_3 : i32
    %dma_start3A = arith.constant 0 : i32
    %dma_start3A_5 = tpu.memref_slice %arg8[%dma_start3A] : memref<512xi32, #tpu.memory_space<vmem>> -> memref<256xi32, #tpu.memory_space<vmem>>
    %dma_start3A_6 = tpu.memref_slice %arg2[%mul3A_2] : memref<16384xi32, #tpu.memory_space<hbm>> -> memref<256xi32, #tpu.memory_space<hbm>>
    %dma_start3A_7 = arith.constant 0 : i32
    %dma_start3A_8 = tpu.memref_slice %arg8[%dma_start3A_7] : memref<512xi32, #tpu.memory_space<vmem>> -> memref<256xi32, #tpu.memory_space<vmem>>
    %dma_start3A_9 = tpu.memref_slice %arg2[%mul3A_2] : memref<16384xi32, #tpu.memory_space<hbm>> -> memref<256xi32, #tpu.memory_space<hbm>>
    tpu.enqueue_dma source(%dma_start3A_9 : memref<256xi32, #tpu.memory_space<hbm>>) target(%dma_start3A_8 : memref<256xi32, #tpu.memory_space<vmem>>) target_semaphore(%arg12 : memref<!tpu.dma_semaphore, #tpu.memory_space<semaphore_mem>>)
    %dma_start3A_10 = arith.constant 0 : i32
    %dma_start3A_11 = tpu.memref_slice %arg9[%dma_start3A_10] : memref<512xi32, #tpu.memory_space<vmem>> -> memref<256xi32, #tpu.memory_space<vmem>>
    %dma_start3A_12 = tpu.memref_slice %arg3[%mul3A_2] : memref<16384xi32, #tpu.memory_space<hbm>> -> memref<256xi32, #tpu.memory_space<hbm>>
    %dma_start3A_13 = arith.constant 0 : i32
    %dma_start3A_14 = tpu.memref_slice %arg9[%dma_start3A_13] : memref<512xi32, #tpu.memory_space<vmem>> -> memref<256xi32, #tpu.memory_space<vmem>>
    %dma_start3A_15 = tpu.memref_slice %arg3[%mul3A_2] : memref<16384xi32, #tpu.memory_space<hbm>> -> memref<256xi32, #tpu.memory_space<hbm>>
    tpu.enqueue_dma source(%dma_start3A_15 : memref<256xi32, #tpu.memory_space<hbm>>) target(%dma_start3A_14 : memref<256xi32, #tpu.memory_space<vmem>>) target_semaphore(%arg14 : memref<!tpu.dma_semaphore, #tpu.memory_space<semaphore_mem>>)
    %dma_start3A_16 = arith.constant 256 : i32
    %dma_start3A_17 = tpu.memref_slice %arg8[%dma_start3A_16] : memref<512xi32, #tpu.memory_space<vmem>> -> memref<256xi32, #tpu.memory_space<vmem>>
    %dma_start3A_18 = tpu.memref_slice %arg2[%add3A_4] : memref<16384xi32, #tpu.memory_space<hbm>> -> memref<256xi32, #tpu.memory_space<hbm>>
    %dma_start3A_19 = arith.constant 256 : i32
    %dma_start3A_20 = tpu.memref_slice %arg8[%dma_start3A_19] : memref<512xi32, #tpu.memory_space<vmem>> -> memref<256xi32, #tpu.memory_space<vmem>>
    %dma_start3A_21 = tpu.memref_slice %arg2[%add3A_4] : memref<16384xi32, #tpu.memory_space<hbm>> -> memref<256xi32, #tpu.memory_space<hbm>>
    tpu.enqueue_dma source(%dma_start3A_21 : memref<256xi32, #tpu.memory_space<hbm>>) target(%dma_start3A_20 : memref<256xi32, #tpu.memory_space<vmem>>) target_semaphore(%arg13 : memref<!tpu.dma_semaphore, #tpu.memory_space<semaphore_mem>>)
    %dma_start3A_22 = arith.constant 256 : i32
    %dma_start3A_23 = tpu.memref_slice %arg9[%dma_start3A_22] : memref<512xi32, #tpu.memory_space<vmem>> -> memref<256xi32, #tpu.memory_space<vmem>>
    %dma_start3A_24 = tpu.memref_slice %arg3[%add3A_4] : memref<16384xi32, #tpu.memory_space<hbm>> -> memref<256xi32, #tpu.memory_space<hbm>>
    %dma_start3A_25 = arith.constant 256 : i32
    %dma_start3A_26 = tpu.memref_slice %arg9[%dma_start3A_25] : memref<512xi32, #tpu.memory_space<vmem>> -> memref<256xi32, #tpu.memory_space<vmem>>
    %dma_start3A_27 = tpu.memref_slice %arg3[%add3A_4] : memref<16384xi32, #tpu.memory_space<hbm>> -> memref<256xi32, #tpu.memory_space<hbm>>
    tpu.enqueue_dma source(%dma_start3A_27 : memref<256xi32, #tpu.memory_space<hbm>>) target(%dma_start3A_26 : memref<256xi32, #tpu.memory_space<vmem>>) target_semaphore(%arg15 : memref<!tpu.dma_semaphore, #tpu.memory_space<semaphore_mem>>)
    %dma_wait3A = arith.constant 0 : i32
    %dma_wait3A_28 = tpu.memref_slice %arg8[%dma_wait3A] : memref<512xi32, #tpu.memory_space<vmem>> -> memref<256xi32, #tpu.memory_space<vmem>>
    %dma_wait3A_29 = tpu.memref_slice %arg2[%mul3A_2] : memref<16384xi32, #tpu.memory_space<hbm>> -> memref<256xi32, #tpu.memory_space<hbm>>
    %dma_wait3A_30 = arith.constant 0 : i32
    %dma_wait3A_31 = tpu.memref_slice %arg8[%dma_wait3A_30] : memref<512xi32, #tpu.memory_space<vmem>> -> memref<256xi32, #tpu.memory_space<vmem>>
    %dma_wait3A_32 = tpu.memref_slice %arg2[%mul3A_2] : memref<16384xi32, #tpu.memory_space<hbm>> -> memref<256xi32, #tpu.memory_space<hbm>>
    tpu.wait_dma2 semaphore(%arg12 : memref<!tpu.dma_semaphore, #tpu.memory_space<semaphore_mem>>) src(%dma_wait3A_32 : memref<256xi32, #tpu.memory_space<hbm>>) dst(%dma_wait3A_31 : memref<256xi32, #tpu.memory_space<vmem>>)
    %dma_start3A_33 = arith.constant 0 : i32
    %dma_start3A_34 = tpu.memref_slice %arg10[%dma_start3A_33] : memref<512xf32, #tpu.memory_space<vmem>> -> memref<256xf32, #tpu.memory_space<vmem>>
    %dma_start3A_35 = arith.constant 0 : i32
    %dma_start3A_36 = tpu.memref_slice %arg8[%dma_start3A_35] : memref<512xi32, #tpu.memory_space<vmem>> -> memref<256xi32, #tpu.memory_space<vmem>>
    %dma_start3A_37 = arith.constant 0 : i32
    %dma_start3A_38 = tpu.memref_slice %arg4[%dma_start3A_37] : memref<1000000xf32, #tpu.memory_space<hbm>> -> memref<1000000xf32, #tpu.memory_space<hbm>>
    tpu.enqueue_indirect_dma source(%dma_start3A_38 : memref<1000000xf32, #tpu.memory_space<hbm>>) target(%dma_start3A_34 : memref<256xf32, #tpu.memory_space<vmem>>) offsets(%dma_start3A_36 : memref<256xi32, #tpu.memory_space<vmem>>) semaphore(%arg16 : memref<!tpu.dma_semaphore, #tpu.memory_space<semaphore_mem>>)
    %dma_wait3A_39 = arith.constant 0 : i32
    %dma_wait3A_40 = tpu.memref_slice %arg9[%dma_wait3A_39] : memref<512xi32, #tpu.memory_space<vmem>> -> memref<256xi32, #tpu.memory_space<vmem>>
    %dma_wait3A_41 = tpu.memref_slice %arg3[%mul3A_2] : memref<16384xi32, #tpu.memory_space<hbm>> -> memref<256xi32, #tpu.memory_space<hbm>>
    %dma_wait3A_42 = arith.constant 0 : i32
    %dma_wait3A_43 = tpu.memref_slice %arg9[%dma_wait3A_42] : memref<512xi32, #tpu.memory_space<vmem>> -> memref<256xi32, #tpu.memory_space<vmem>>
    %dma_wait3A_44 = tpu.memref_slice %arg3[%mul3A_2] : memref<16384xi32, #tpu.memory_space<hbm>> -> memref<256xi32, #tpu.memory_space<hbm>>
    tpu.wait_dma2 semaphore(%arg14 : memref<!tpu.dma_semaphore, #tpu.memory_space<semaphore_mem>>) src(%dma_wait3A_44 : memref<256xi32, #tpu.memory_space<hbm>>) dst(%dma_wait3A_43 : memref<256xi32, #tpu.memory_space<vmem>>)
    %dma_start3A_45 = arith.constant 0 : i32
    %dma_start3A_46 = tpu.memref_slice %arg11[%dma_start3A_45] : memref<512xf32, #tpu.memory_space<vmem>> -> memref<256xf32, #tpu.memory_space<vmem>>
    %dma_start3A_47 = arith.constant 0 : i32
    %dma_start3A_48 = tpu.memref_slice %arg9[%dma_start3A_47] : memref<512xi32, #tpu.memory_space<vmem>> -> memref<256xi32, #tpu.memory_space<vmem>>
    %dma_start3A_49 = arith.constant 0 : i32
    %dma_start3A_50 = tpu.memref_slice %arg5[%dma_start3A_49] : memref<100000xf32, #tpu.memory_space<hbm>> -> memref<100000xf32, #tpu.memory_space<hbm>>
    tpu.enqueue_indirect_dma source(%dma_start3A_50 : memref<100000xf32, #tpu.memory_space<hbm>>) target(%dma_start3A_46 : memref<256xf32, #tpu.memory_space<vmem>>) offsets(%dma_start3A_48 : memref<256xi32, #tpu.memory_space<vmem>>) semaphore(%arg18 : memref<!tpu.dma_semaphore, #tpu.memory_space<semaphore_mem>>)
    %dma_wait3A_51 = arith.constant 256 : i32
    %dma_wait3A_52 = tpu.memref_slice %arg8[%dma_wait3A_51] : memref<512xi32, #tpu.memory_space<vmem>> -> memref<256xi32, #tpu.memory_space<vmem>>
    %dma_wait3A_53 = tpu.memref_slice %arg2[%add3A_4] : memref<16384xi32, #tpu.memory_space<hbm>> -> memref<256xi32, #tpu.memory_space<hbm>>
    %dma_wait3A_54 = arith.constant 256 : i32
    %dma_wait3A_55 = tpu.memref_slice %arg8[%dma_wait3A_54] : memref<512xi32, #tpu.memory_space<vmem>> -> memref<256xi32, #tpu.memory_space<vmem>>
    %dma_wait3A_56 = tpu.memref_slice %arg2[%add3A_4] : memref<16384xi32, #tpu.memory_space<hbm>> -> memref<256xi32, #tpu.memory_space<hbm>>
    tpu.wait_dma2 semaphore(%arg13 : memref<!tpu.dma_semaphore, #tpu.memory_space<semaphore_mem>>) src(%dma_wait3A_56 : memref<256xi32, #tpu.memory_space<hbm>>) dst(%dma_wait3A_55 : memref<256xi32, #tpu.memory_space<vmem>>)
    %dma_start3A_57 = arith.constant 256 : i32
    %dma_start3A_58 = tpu.memref_slice %arg10[%dma_start3A_57] : memref<512xf32, #tpu.memory_space<vmem>> -> memref<256xf32, #tpu.memory_space<vmem>>
    %dma_start3A_59 = arith.constant 256 : i32
    %dma_start3A_60 = tpu.memref_slice %arg8[%dma_start3A_59] : memref<512xi32, #tpu.memory_space<vmem>> -> memref<256xi32, #tpu.memory_space<vmem>>
    %dma_start3A_61 = arith.constant 0 : i32
    %dma_start3A_62 = tpu.memref_slice %arg4[%dma_start3A_61] : memref<1000000xf32, #tpu.memory_space<hbm>> -> memref<1000000xf32, #tpu.memory_space<hbm>>
    tpu.enqueue_indirect_dma source(%dma_start3A_62 : memref<1000000xf32, #tpu.memory_space<hbm>>) target(%dma_start3A_58 : memref<256xf32, #tpu.memory_space<vmem>>) offsets(%dma_start3A_60 : memref<256xi32, #tpu.memory_space<vmem>>) semaphore(%arg17 : memref<!tpu.dma_semaphore, #tpu.memory_space<semaphore_mem>>)
    %dma_wait3A_63 = arith.constant 256 : i32
    %dma_wait3A_64 = tpu.memref_slice %arg9[%dma_wait3A_63] : memref<512xi32, #tpu.memory_space<vmem>> -> memref<256xi32, #tpu.memory_space<vmem>>
    %dma_wait3A_65 = tpu.memref_slice %arg3[%add3A_4] : memref<16384xi32, #tpu.memory_space<hbm>> -> memref<256xi32, #tpu.memory_space<hbm>>
    %dma_wait3A_66 = arith.constant 256 : i32
    %dma_wait3A_67 = tpu.memref_slice %arg9[%dma_wait3A_66] : memref<512xi32, #tpu.memory_space<vmem>> -> memref<256xi32, #tpu.memory_space<vmem>>
    %dma_wait3A_68 = tpu.memref_slice %arg3[%add3A_4] : memref<16384xi32, #tpu.memory_space<hbm>> -> memref<256xi32, #tpu.memory_space<hbm>>
    tpu.wait_dma2 semaphore(%arg15 : memref<!tpu.dma_semaphore, #tpu.memory_space<semaphore_mem>>) src(%dma_wait3A_68 : memref<256xi32, #tpu.memory_space<hbm>>) dst(%dma_wait3A_67 : memref<256xi32, #tpu.memory_space<vmem>>)
    %dma_start3A_69 = arith.constant 256 : i32
    %dma_start3A_70 = tpu.memref_slice %arg11[%dma_start3A_69] : memref<512xf32, #tpu.memory_space<vmem>> -> memref<256xf32, #tpu.memory_space<vmem>>
    %dma_start3A_71 = arith.constant 256 : i32
    %dma_start3A_72 = tpu.memref_slice %arg9[%dma_start3A_71] : memref<512xi32, #tpu.memory_space<vmem>> -> memref<256xi32, #tpu.memory_space<vmem>>
    %dma_start3A_73 = arith.constant 0 : i32
    %dma_start3A_74 = tpu.memref_slice %arg5[%dma_start3A_73] : memref<100000xf32, #tpu.memory_space<hbm>> -> memref<100000xf32, #tpu.memory_space<hbm>>
    tpu.enqueue_indirect_dma source(%dma_start3A_74 : memref<100000xf32, #tpu.memory_space<hbm>>) target(%dma_start3A_70 : memref<256xf32, #tpu.memory_space<vmem>>) offsets(%dma_start3A_72 : memref<256xi32, #tpu.memory_space<vmem>>) semaphore(%arg19 : memref<!tpu.dma_semaphore, #tpu.memory_space<semaphore_mem>>)
    %dma_wait3A_75 = arith.constant 0 : i32
    %dma_wait3A_76 = tpu.memref_slice %arg10[%dma_wait3A_75] : memref<512xf32, #tpu.memory_space<vmem>> -> memref<256xf32, #tpu.memory_space<vmem>>
    %dma_wait3A_77 = arith.constant 0 : i32
    %dma_wait3A_78 = tpu.memref_slice %arg8[%dma_wait3A_77] : memref<512xi32, #tpu.memory_space<vmem>> -> memref<256xi32, #tpu.memory_space<vmem>>
    %dma_wait3A_79 = arith.constant 0 : i32
    %dma_wait3A_80 = tpu.memref_slice %arg4[%dma_wait3A_79] : memref<1000000xf32, #tpu.memory_space<hbm>> -> memref<1000000xf32, #tpu.memory_space<hbm>>
    tpu.wait_indirect_dma semaphore(%arg16 : memref<!tpu.dma_semaphore, #tpu.memory_space<semaphore_mem>>) src(%dma_wait3A_80 : memref<1000000xf32, #tpu.memory_space<hbm>>) dst(%dma_wait3A_76 : memref<256xf32, #tpu.memory_space<vmem>>)
    %dma_start3A_81 = arith.constant 0 : i32
    %dma_start3A_82 = tpu.memref_slice %arg10[%dma_start3A_81] : memref<512xf32, #tpu.memory_space<vmem>> -> memref<256xf32, #tpu.memory_space<vmem>>
    %dma_start3A_83 = tpu.memref_slice %arg6[%mul3A_2] : memref<16384xf32, #tpu.memory_space<hbm>> -> memref<256xf32, #tpu.memory_space<hbm>>
    %dma_start3A_84 = tpu.memref_slice %arg6[%mul3A_2] : memref<16384xf32, #tpu.memory_space<hbm>> -> memref<256xf32, #tpu.memory_space<hbm>>
    %dma_start3A_85 = arith.constant 0 : i32
    %dma_start3A_86 = tpu.memref_slice %arg10[%dma_start3A_85] : memref<512xf32, #tpu.memory_space<vmem>> -> memref<256xf32, #tpu.memory_space<vmem>>
    tpu.enqueue_dma source(%dma_start3A_86 : memref<256xf32, #tpu.memory_space<vmem>>) target(%dma_start3A_84 : memref<256xf32, #tpu.memory_space<hbm>>) target_semaphore(%arg20 : memref<!tpu.dma_semaphore, #tpu.memory_space<semaphore_mem>>)
    %dma_wait3A_87 = arith.constant 0 : i32
    %dma_wait3A_88 = tpu.memref_slice %arg11[%dma_wait3A_87] : memref<512xf32, #tpu.memory_space<vmem>> -> memref<256xf32, #tpu.memory_space<vmem>>
    %dma_wait3A_89 = arith.constant 0 : i32
    %dma_wait3A_90 = tpu.memref_slice %arg9[%dma_wait3A_89] : memref<512xi32, #tpu.memory_space<vmem>> -> memref<256xi32, #tpu.memory_space<vmem>>
    %dma_wait3A_91 = arith.constant 0 : i32
    %dma_wait3A_92 = tpu.memref_slice %arg5[%dma_wait3A_91] : memref<100000xf32, #tpu.memory_space<hbm>> -> memref<100000xf32, #tpu.memory_space<hbm>>
    tpu.wait_indirect_dma semaphore(%arg18 : memref<!tpu.dma_semaphore, #tpu.memory_space<semaphore_mem>>) src(%dma_wait3A_92 : memref<100000xf32, #tpu.memory_space<hbm>>) dst(%dma_wait3A_88 : memref<256xf32, #tpu.memory_space<vmem>>)
    %dma_start3A_93 = arith.constant 0 : i32
    %dma_start3A_94 = tpu.memref_slice %arg11[%dma_start3A_93] : memref<512xf32, #tpu.memory_space<vmem>> -> memref<256xf32, #tpu.memory_space<vmem>>
    %dma_start3A_95 = tpu.memref_slice %arg7[%mul3A_2] : memref<16384xf32, #tpu.memory_space<hbm>> -> memref<256xf32, #tpu.memory_space<hbm>>
    %dma_start3A_96 = tpu.memref_slice %arg7[%mul3A_2] : memref<16384xf32, #tpu.memory_space<hbm>> -> memref<256xf32, #tpu.memory_space<hbm>>
    %dma_start3A_97 = arith.constant 0 : i32
    %dma_start3A_98 = tpu.memref_slice %arg11[%dma_start3A_97] : memref<512xf32, #tpu.memory_space<vmem>> -> memref<256xf32, #tpu.memory_space<vmem>>
    tpu.enqueue_dma source(%dma_start3A_98 : memref<256xf32, #tpu.memory_space<vmem>>) target(%dma_start3A_96 : memref<256xf32, #tpu.memory_space<hbm>>) target_semaphore(%arg20 : memref<!tpu.dma_semaphore, #tpu.memory_space<semaphore_mem>>)
    %dma_wait3A_99 = arith.constant 256 : i32
    %dma_wait3A_100 = tpu.memref_slice %arg10[%dma_wait3A_99] : memref<512xf32, #tpu.memory_space<vmem>> -> memref<256xf32, #tpu.memory_space<vmem>>
    %dma_wait3A_101 = arith.constant 256 : i32
    %dma_wait3A_102 = tpu.memref_slice %arg8[%dma_wait3A_101] : memref<512xi32, #tpu.memory_space<vmem>> -> memref<256xi32, #tpu.memory_space<vmem>>
    %dma_wait3A_103 = arith.constant 0 : i32
    %dma_wait3A_104 = tpu.memref_slice %arg4[%dma_wait3A_103] : memref<1000000xf32, #tpu.memory_space<hbm>> -> memref<1000000xf32, #tpu.memory_space<hbm>>
    tpu.wait_indirect_dma semaphore(%arg17 : memref<!tpu.dma_semaphore, #tpu.memory_space<semaphore_mem>>) src(%dma_wait3A_104 : memref<1000000xf32, #tpu.memory_space<hbm>>) dst(%dma_wait3A_100 : memref<256xf32, #tpu.memory_space<vmem>>)
    %dma_start3A_105 = arith.constant 256 : i32
    %dma_start3A_106 = tpu.memref_slice %arg10[%dma_start3A_105] : memref<512xf32, #tpu.memory_space<vmem>> -> memref<256xf32, #tpu.memory_space<vmem>>
    %dma_start3A_107 = tpu.memref_slice %arg6[%add3A_4] : memref<16384xf32, #tpu.memory_space<hbm>> -> memref<256xf32, #tpu.memory_space<hbm>>
    %dma_start3A_108 = tpu.memref_slice %arg6[%add3A_4] : memref<16384xf32, #tpu.memory_space<hbm>> -> memref<256xf32, #tpu.memory_space<hbm>>
    %dma_start3A_109 = arith.constant 256 : i32
    %dma_start3A_110 = tpu.memref_slice %arg10[%dma_start3A_109] : memref<512xf32, #tpu.memory_space<vmem>> -> memref<256xf32, #tpu.memory_space<vmem>>
    tpu.enqueue_dma source(%dma_start3A_110 : memref<256xf32, #tpu.memory_space<vmem>>) target(%dma_start3A_108 : memref<256xf32, #tpu.memory_space<hbm>>) target_semaphore(%arg20 : memref<!tpu.dma_semaphore, #tpu.memory_space<semaphore_mem>>)
    %dma_wait3A_111 = arith.constant 256 : i32
    %dma_wait3A_112 = tpu.memref_slice %arg11[%dma_wait3A_111] : memref<512xf32, #tpu.memory_space<vmem>> -> memref<256xf32, #tpu.memory_space<vmem>>
    %dma_wait3A_113 = arith.constant 256 : i32
    %dma_wait3A_114 = tpu.memref_slice %arg9[%dma_wait3A_113] : memref<512xi32, #tpu.memory_space<vmem>> -> memref<256xi32, #tpu.memory_space<vmem>>
    %dma_wait3A_115 = arith.constant 0 : i32
    %dma_wait3A_116 = tpu.memref_slice %arg5[%dma_wait3A_115] : memref<100000xf32, #tpu.memory_space<hbm>> -> memref<100000xf32, #tpu.memory_space<hbm>>
    tpu.wait_indirect_dma semaphore(%arg19 : memref<!tpu.dma_semaphore, #tpu.memory_space<semaphore_mem>>) src(%dma_wait3A_116 : memref<100000xf32, #tpu.memory_space<hbm>>) dst(%dma_wait3A_112 : memref<256xf32, #tpu.memory_space<vmem>>)
    %dma_start3A_117 = arith.constant 256 : i32
    %dma_start3A_118 = tpu.memref_slice %arg11[%dma_start3A_117] : memref<512xf32, #tpu.memory_space<vmem>> -> memref<256xf32, #tpu.memory_space<vmem>>
    %dma_start3A_119 = tpu.memref_slice %arg7[%add3A_4] : memref<16384xf32, #tpu.memory_space<hbm>> -> memref<256xf32, #tpu.memory_space<hbm>>
    %dma_start3A_120 = tpu.memref_slice %arg7[%add3A_4] : memref<16384xf32, #tpu.memory_space<hbm>> -> memref<256xf32, #tpu.memory_space<hbm>>
    %dma_start3A_121 = arith.constant 256 : i32
    %dma_start3A_122 = tpu.memref_slice %arg11[%dma_start3A_121] : memref<512xf32, #tpu.memory_space<vmem>> -> memref<256xf32, #tpu.memory_space<vmem>>
    tpu.enqueue_dma source(%dma_start3A_122 : memref<256xf32, #tpu.memory_space<vmem>>) target(%dma_start3A_120 : memref<256xf32, #tpu.memory_space<hbm>>) target_semaphore(%arg20 : memref<!tpu.dma_semaphore, #tpu.memory_space<semaphore_mem>>)
    %dma_wait3A_123 = arith.constant 0 : i32
    %dma_wait3A_124 = tpu.memref_slice %arg10[%dma_wait3A_123] : memref<512xf32, #tpu.memory_space<vmem>> -> memref<256xf32, #tpu.memory_space<vmem>>
    %dma_wait3A_125 = tpu.memref_slice %arg6[%mul3A_2] : memref<16384xf32, #tpu.memory_space<hbm>> -> memref<256xf32, #tpu.memory_space<hbm>>
    %dma_wait3A_126 = tpu.memref_slice %arg6[%mul3A_2] : memref<16384xf32, #tpu.memory_space<hbm>> -> memref<256xf32, #tpu.memory_space<hbm>>
    %dma_wait3A_127 = arith.constant 0 : i32
    %dma_wait3A_128 = tpu.memref_slice %arg10[%dma_wait3A_127] : memref<512xf32, #tpu.memory_space<vmem>> -> memref<256xf32, #tpu.memory_space<vmem>>
    tpu.wait_dma2 semaphore(%arg20 : memref<!tpu.dma_semaphore, #tpu.memory_space<semaphore_mem>>) src(%dma_wait3A_128 : memref<256xf32, #tpu.memory_space<vmem>>) dst(%dma_wait3A_126 : memref<256xf32, #tpu.memory_space<hbm>>)
    %dma_wait3A_129 = arith.constant 0 : i32
    %dma_wait3A_130 = tpu.memref_slice %arg11[%dma_wait3A_129] : memref<512xf32, #tpu.memory_space<vmem>> -> memref<256xf32, #tpu.memory_space<vmem>>
    %dma_wait3A_131 = tpu.memref_slice %arg7[%mul3A_2] : memref<16384xf32, #tpu.memory_space<hbm>> -> memref<256xf32, #tpu.memory_space<hbm>>
    %dma_wait3A_132 = tpu.memref_slice %arg7[%mul3A_2] : memref<16384xf32, #tpu.memory_space<hbm>> -> memref<256xf32, #tpu.memory_space<hbm>>
    %dma_wait3A_133 = arith.constant 0 : i32
    %dma_wait3A_134 = tpu.memref_slice %arg11[%dma_wait3A_133] : memref<512xf32, #tpu.memory_space<vmem>> -> memref<256xf32, #tpu.memory_space<vmem>>
    tpu.wait_dma2 semaphore(%arg20 : memref<!tpu.dma_semaphore, #tpu.memory_space<semaphore_mem>>) src(%dma_wait3A_134 : memref<256xf32, #tpu.memory_space<vmem>>) dst(%dma_wait3A_132 : memref<256xf32, #tpu.memory_space<hbm>>)
    %dma_wait3A_135 = arith.constant 256 : i32
    %dma_wait3A_136 = tpu.memref_slice %arg10[%dma_wait3A_135] : memref<512xf32, #tpu.memory_space<vmem>> -> memref<256xf32, #tpu.memory_space<vmem>>
    %dma_wait3A_137 = tpu.memref_slice %arg6[%add3A_4] : memref<16384xf32, #tpu.memory_space<hbm>> -> memref<256xf32, #tpu.memory_space<hbm>>
    %dma_wait3A_138 = tpu.memref_slice %arg6[%add3A_4] : memref<16384xf32, #tpu.memory_space<hbm>> -> memref<256xf32, #tpu.memory_space<hbm>>
    %dma_wait3A_139 = arith.constant 256 : i32
    %dma_wait3A_140 = tpu.memref_slice %arg10[%dma_wait3A_139] : memref<512xf32, #tpu.memory_space<vmem>> -> memref<256xf32, #tpu.memory_space<vmem>>
    tpu.wait_dma2 semaphore(%arg20 : memref<!tpu.dma_semaphore, #tpu.memory_space<semaphore_mem>>) src(%dma_wait3A_140 : memref<256xf32, #tpu.memory_space<vmem>>) dst(%dma_wait3A_138 : memref<256xf32, #tpu.memory_space<hbm>>)
    %dma_wait3A_141 = arith.constant 256 : i32
    %dma_wait3A_142 = tpu.memref_slice %arg11[%dma_wait3A_141] : memref<512xf32, #tpu.memory_space<vmem>> -> memref<256xf32, #tpu.memory_space<vmem>>
    %dma_wait3A_143 = tpu.memref_slice %arg7[%add3A_4] : memref<16384xf32, #tpu.memory_space<hbm>> -> memref<256xf32, #tpu.memory_space<hbm>>
    %dma_wait3A_144 = tpu.memref_slice %arg7[%add3A_4] : memref<16384xf32, #tpu.memory_space<hbm>> -> memref<256xf32, #tpu.memory_space<hbm>>
    %dma_wait3A_145 = arith.constant 256 : i32
    %dma_wait3A_146 = tpu.memref_slice %arg11[%dma_wait3A_145] : memref<512xf32, #tpu.memory_space<vmem>> -> memref<256xf32, #tpu.memory_space<vmem>>
    tpu.wait_dma2 semaphore(%arg20 : memref<!tpu.dma_semaphore, #tpu.memory_space<semaphore_mem>>) src(%dma_wait3A_146 : memref<256xf32, #tpu.memory_space<vmem>>) dst(%dma_wait3A_144 : memref<256xf32, #tpu.memory_space<hbm>>)
    return
  }
}

module attributes {stable_mosaic.version = 14 : i64} {
  func.func @body(%arg0: memref<128x128xf32, #tpu.memory_space<vmem>>, %arg1: memref<128x128xf32, #tpu.memory_space<vmem>>, %arg2: memref<128x128xf32, #tpu.memory_space<vmem>>, %arg3: memref<128x128xf32, #tpu.memory_space<vmem>>, %arg4: memref<1x1xf32, #tpu.memory_space<vmem>>) attributes {dimension_semantics = [], scalar_prefetch = 0 : i64, scratch_operands = 0 : i64, tpu.core_type = #tpu.core_type<tc>} {
    %get3A = arith.constant 0 : index
    %get3A_0 = arith.constant 0 : index
    %get3A_1 = vector.load %arg0[%get3A, %get3A_0] : memref<128x128xf32, #tpu.memory_space<vmem>>, vector<128x128xf32>
    %custom_jvp_call3A = arith.constant 0.000000e+00 : f32
    %max3A = vector.broadcast %custom_jvp_call3A : f32 to vector<128x128xf32>
    %max3A_2 = arith.maximumf %get3A_1, %max3A : vector<128x128xf32>
    %sub3A = vector.broadcast %custom_jvp_call3A : f32 to vector<128x128xf32>
    %sub3A_3 = arith.subf %get3A_1, %sub3A : vector<128x128xf32>
    %ne3A = arith.cmpf one, %sub3A_3, %sub3A_3 : vector<128x128xf32>
    %add3A = vector.broadcast %custom_jvp_call3A : f32 to vector<128x128xf32>
    %add3A_4 = arith.addf %get3A_1, %add3A : vector<128x128xf32>
    %abs3A = math.absf %sub3A_3 : vector<128x128xf32>
    %neg3A = arith.constant 0.000000e+00 : f32
    %neg3A_5 = vector.broadcast %neg3A : f32 to vector<128x128xf32>
    %neg3A_6 = arith.subf %neg3A_5, %abs3A : vector<128x128xf32>
    %exp3A = math.exp %neg3A_6 : vector<128x128xf32>
    %log1p3A = math.log1p %exp3A : vector<128x128xf32>
    %add3A_7 = arith.addf %max3A_2, %log1p3A : vector<128x128xf32>
    %select_n3A = arith.select %ne3A, %add3A_4, %add3A_7 : vector<128x128xi1>, vector<128x128xf32>
    %get3A_8 = arith.constant 0 : index
    %get3A_9 = arith.constant 0 : index
    %get3A_10 = vector.load %arg1[%get3A_8, %get3A_9] : memref<128x128xf32, #tpu.memory_space<vmem>>, vector<128x128xf32>
    %custom_jvp_call3A_11 = arith.constant 0.000000e+00 : f32
    %max3A_12 = vector.broadcast %custom_jvp_call3A_11 : f32 to vector<128x128xf32>
    %max3A_13 = arith.maximumf %get3A_10, %max3A_12 : vector<128x128xf32>
    %sub3A_14 = vector.broadcast %custom_jvp_call3A_11 : f32 to vector<128x128xf32>
    %sub3A_15 = arith.subf %get3A_10, %sub3A_14 : vector<128x128xf32>
    %ne3A_16 = arith.cmpf one, %sub3A_15, %sub3A_15 : vector<128x128xf32>
    %add3A_17 = vector.broadcast %custom_jvp_call3A_11 : f32 to vector<128x128xf32>
    %add3A_18 = arith.addf %get3A_10, %add3A_17 : vector<128x128xf32>
    %abs3A_19 = math.absf %sub3A_15 : vector<128x128xf32>
    %neg3A_20 = arith.constant 0.000000e+00 : f32
    %neg3A_21 = vector.broadcast %neg3A_20 : f32 to vector<128x128xf32>
    %neg3A_22 = arith.subf %neg3A_21, %abs3A_19 : vector<128x128xf32>
    %exp3A_23 = math.exp %neg3A_22 : vector<128x128xf32>
    %log1p3A_24 = math.log1p %exp3A_23 : vector<128x128xf32>
    %add3A_25 = arith.addf %max3A_13, %log1p3A_24 : vector<128x128xf32>
    %select_n3A_26 = arith.select %ne3A_16, %add3A_18, %add3A_25 : vector<128x128xi1>, vector<128x128xf32>
    %sub3A_27 = arith.subf %select_n3A, %select_n3A_26 : vector<128x128xf32>
    %swap3A = arith.constant 0 : index
    %swap3A_28 = arith.constant 0 : index
    %swap3A_29 = vector.load %arg3[%swap3A, %swap3A_28] : memref<128x128xf32, #tpu.memory_space<vmem>>, vector<128x128xf32>
    tpu.vector_store %arg3[%swap3A, %swap3A_28], %sub3A_27 {strides = array<i32>} : memref<128x128xf32, #tpu.memory_space<vmem>>, vector<128x128xf32>,
    %max3A_30 = arith.constant 0.000000e+00 : f32
    %max3A_31 = vector.broadcast %max3A_30 : f32 to vector<128x128xf32>
    %max3A_32 = arith.maximumf %sub3A_27, %max3A_31 : vector<128x128xf32>
    %get3A_33 = arith.constant 0 : index
    %get3A_34 = arith.constant 0 : index
    %get3A_35 = vector.load %arg2[%get3A_33, %get3A_34] : memref<128x128xf32, #tpu.memory_space<vmem>>, vector<128x128xf32>
    %mul3A = arith.mulf %sub3A_27, %get3A_35 : vector<128x128xf32>
    %sub3A_36 = arith.subf %max3A_32, %mul3A : vector<128x128xf32>
    %abs3A_37 = math.absf %sub3A_27 : vector<128x128xf32>
    %neg3A_38 = arith.constant 0.000000e+00 : f32
    %neg3A_39 = vector.broadcast %neg3A_38 : f32 to vector<128x128xf32>
    %neg3A_40 = arith.subf %neg3A_39, %abs3A_37 : vector<128x128xf32>
    %exp3A_41 = math.exp %neg3A_40 : vector<128x128xf32>
    %log1p3A_42 = math.log1p %exp3A_41 : vector<128x128xf32>
    %add3A_43 = arith.addf %sub3A_36, %log1p3A_42 : vector<128x128xf32>
    %reduce_sum3A = vector.shape_cast %add3A_43 : vector<128x128xf32> to vector<1x128x128xf32>
    %reduce_sum3A_44 = arith.constant dense<0.000000e+00> : vector<1xf32>
    %reduce_sum3A_45 = vector.multi_reduction <add>, %reduce_sum3A, %reduce_sum3A_44 [1, 2] : vector<1x128x128xf32> to vector<1xf32>
    %reduce_sum3A_46 = vector.shape_cast %reduce_sum3A_45 : vector<1xf32> to vector<1x1x1xf32>
    %reduce_sum3A_47 = vector.extract %reduce_sum3A_46[0, 0, 0] : f32 from vector<1x1x1xf32>
    %reshape3A = vector.broadcast %reduce_sum3A_47 : f32 to vector<1x1xf32>
    %mul3A_48 = arith.constant 6.10351563E-5 : f32
    %mul3A_49 = vector.broadcast %mul3A_48 : f32 to vector<1x1xf32>
    %mul3A_50 = arith.mulf %reshape3A, %mul3A_49 : vector<1x1xf32>
    %swap3A_51 = arith.constant 0 : index
    %swap3A_52 = arith.constant 0 : index
    %swap3A_53 = vector.load %arg4[%swap3A_51, %swap3A_52] : memref<1x1xf32, #tpu.memory_space<vmem>>, vector<1x1xf32>
    tpu.vector_store %arg4[%swap3A_51, %swap3A_52], %mul3A_50 {strides = array<i32>} : memref<1x1xf32, #tpu.memory_space<vmem>>, vector<1x1xf32>,
    return
  }
}

</mosaic_0001>

<sc_bundles>
// kernel: kernel.4.cloned.1.call-start
scs
__scs_entry_jumppad:
0x0: {  	(pc) =	sbr.rel $0x88, $3  }
0x1: {  	(tag) =	ssettag $0x0;
	lr =	simm.s32 $0x1  }
0x2: {  	[smem:$0x3F9C] =	sst lr;
	_ =	strace $0xD0000000  }
0x3: {  	_ = 	snop  }
0x4: {  	_ = 	snop  }
0x5: {  	_ = 	snop  }
0x6: {  	_ = 	snop  }
0x7: {  	_ = 	snop  }
__scs_overlays_trampoline_lowered:
0x8: {  	[smem:$0x3FAB] =	sst s0  }
0x9: {  	[smem:$0x3FAC] =	sst s1  }
0xa: {  	[smem:$0x3FAD] =	sst s2  }
0xb: {  	[smem:$0x3FAE] =	sst s3  }
0xc: {  	[smem:$0x3FAF] =	sst s4  }
0xd: {  	[smem:$0x3FB0] =	sst s5  }
0xe: {  	[smem:$0x3FB1] =	sst s6  }
0xf: {  	[smem:$0x3FB2] =	sst s7  }
0x10: {  	[smem:$0x3FB3] =	sst s8  }
0x11: {  	[smem:$0x3FB4] =	sst s9;
	s0 =	simm.s32 @!p0 $0x0  }
0x12: {  	s1 =	sld [smem:$0x3F9A];
	s0 =	simm.s32 @p0 $0x1  }
0x13: {  	[smem:$0x3FB5] =	sst s0;
	s0 =	simm.s32 @!p1 $0x0  }
0x14: {  	s2 =	sld [smem:$0x3F99];
	s0 =	simm.s32 @p1 $0x1  }
0x15: {  	[smem:$0x3FB6] =	sst s0;
	s0 =	simm.s32 @!p2 $0x0  }
0x16: {  	s3 =	sld [smem:$0x3FDB];
	s0 =	simm.s32 @p2 $0x1  }
0x17: {  	s4 =	simm.s32 $0x1BF5;
	[smem:$0x3FB8] =	sst s0  }
0x18: {  	s0 =	sld [smem:$0x3F9B];
	_ =	swait.ge [sflag:s4], $0x0  }
0x19: {  	s7 =	sld [smem:$0x3F9C]  }
0x1a: {  	s8 =	sadd.s32 $0xFFFFE003, lr  }
0x1b: {  	s9 =	sadd.s32 $0xFFFFFEF7, lr;
	s5 =	simm.s32 $0xFFFFFFFF;
	p2 =	slt.u32 s8, $0xFFFFF086  }
0x1c: {  	p1 =	slt.u32 s9, $0xF7A;
	s5 =	simm.s32 @!p2 $0x0  }
0x1d: {  	s5 =	simm.s32 @p1 $0x1;
	p0 =	seq.s32 s7, s2  }
0x1e: {  	s7 =	smul.u32 @!p0 $0xF7A, s2;
	p2 =	seq.s32 @!p0 s5, $0x0  }
0x1f: {  	s9 =	smul.u32 $0xF7A, s1;
	s8 =	simm.s32 @!p0 $0x1BF5;
	p2 =	por !p2, p0  }
0x20: {  	[sflag:s8] =	ssyncset.s32 @!p0 $0xFFFFF086;
	s6 =	sadd.s32 @!p0 s3, s7;
	s7 =	simm.s32 @!p0 $0x108  }
0x21: {  	s3 =	sadd.s32 s3, s9;
	s6 =	sadd.s32 @!p0 $0x88, s6;
	s7 =	simm.s32 @p2 $0x1082  }
0x22: {  	[simem:s7], [sflag:s8] =	dma.local @!p0 [hbm:s6], $0xF7A  }
0x23: {  	s9 =	sor.u32 $0xD0000000, s2;
	s6 =	simm.s32 $0x108;
	_ =	swait.ge @!p0 [sflag:s8], $0x0  }
0x24: {  	s3 =	sadd.s32 $0x88, s3;
	s6 =	simm.s32 @!p1 $0x1082;
	[sflag:s4] =	ssyncset.s32 $0xFFFFF086  }
0x25: {  	[simem:s6], [sflag:s4] =	dma.local [hbm:s3], $0xF7A  }
0x26: {  	[smem:$0x3F9C] =	sst s1;
	(tag) =	ssettag s2;
	_ =	strace s9  }
0x27: {  	s1 =	sld [smem:$0x3FAC]  }
0x28: {  	s2 =	sld [smem:$0x3FAD]  }
0x29: {  	s4 =	sld [smem:$0x3FAF]  }
0x2a: {  	p0 =	seq.s32 s5, $0x0;
	s5 =	sld [smem:$0x3FB0]  }
0x2b: {  	s6 =	sld [smem:$0x3FB1]  }
0x2c: {  	s7 =	sld [smem:$0x3FB2]  }
0x2d: {  	s3 =	simm.s32 $0x108;
	s8 =	sld [smem:$0x3FB3]  }
0x2e: {  	s3 =	simm.s32 @!p0 $0x1082;
	s9 =	sld [smem:$0x3FB4]  }
0x2f: {  	lr =	sadd.s32 s0, s3;
	s0 =	sld [smem:$0x3FAB]  }
0x30: {  	s3 =	sld [smem:$0x3FAE]  }
0x31: {  	[smem:$0x3FB7] =	sst s10  }
0x32: {  	s10 =	sld [smem:$0x3FB5];
	_ =	sdelay $0x3  }
0x33: {  	p0 =	seq.s32 s10, $0x1;
	s10 =	sld [smem:$0x3FB7];
	_ =	sdelay $0x3  }
0x34: {  	[smem:$0x3FB7] =	sst s10  }
0x35: {  	s10 =	sld [smem:$0x3FB6];
	_ =	sdelay $0x3  }
0x36: {  	p1 =	seq.s32 s10, $0x1;
	s10 =	sld [smem:$0x3FB7];
	_ =	sdelay $0x3  }
0x37: {  	[smem:$0x3FB7] =	sst s10  }
0x38: {  	s10 =	sld [smem:$0x3FB8]  }
0x39: {  	_ = 	snop;
	(pc) =	sbr.ind lr, $3  }
0x3a: {  	_ = 	snop  }
0x3b: {  	_ = 	snop  }
0x3c: {  	p2 =	seq.s32 s10, $0x1;
	s10 =	sld [smem:$0x3FB7]  }
0x3d: {  	_ =	shalt  }
0x3e: {  	_ =	shalt  }
0x3f: {  	_ =	shalt  }
0x40: {  	_ =	shalt  }
0x41: {  	_ =	shalt  }
0x42: {  	_ =	shalt  }
0x43: {  	_ =	shalt  }
0x44: {  	_ =	shalt  }
0x45: {  	_ =	shalt  }
0x46: {  	_ =	shalt  }
0x47: {  	_ =	shalt  }
0x48: {  	_ =	shalt  }
0x49: {  	_ =	shalt  }
0x4a: {  	_ =	shalt  }
0x4b: {  	_ =	shalt  }
0x4c: {  	_ =	shalt  }
0x4d: {  	_ =	shalt  }
0x4e: {  	_ =	shalt  }
0x4f: {  	_ =	shalt  }
0x50: {  	_ =	shalt  }
0x51: {  	_ =	shalt  }
0x52: {  	_ =	shalt  }
0x53: {  	_ =	shalt  }
0x54: {  	_ =	shalt  }
0x55: {  	_ =	shalt  }
0x56: {  	_ =	shalt  }
0x57: {  	_ =	shalt  }
0x58: {  	_ =	shalt  }
0x59: {  	_ =	shalt  }
0x5a: {  	_ =	shalt  }
0x5b: {  	_ =	shalt  }
0x5c: {  	_ =	shalt  }
0x5d: {  	_ =	shalt  }
0x5e: {  	_ =	shalt  }
0x5f: {  	_ =	shalt  }
0x60: {  	_ =	shalt  }
0x61: {  	_ =	shalt  }
0x62: {  	_ =	shalt  }
0x63: {  	_ =	shalt  }
0x64: {  	_ =	shalt  }
0x65: {  	_ =	shalt  }
0x66: {  	_ =	shalt  }
0x67: {  	_ =	shalt  }
0x68: {  	_ =	shalt  }
0x69: {  	_ =	shalt  }
0x6a: {  	_ =	shalt  }
0x6b: {  	_ =	shalt  }
0x6c: {  	_ =	shalt  }
0x6d: {  	_ =	shalt  }
0x6e: {  	_ =	shalt  }
0x6f: {  	_ =	shalt  }
0x70: {  	_ =	shalt  }
0x71: {  	_ =	shalt  }
0x72: {  	_ =	shalt  }
0x73: {  	_ =	shalt  }
0x74: {  	_ =	shalt  }
0x75: {  	_ =	shalt  }
0x76: {  	_ =	shalt  }
0x77: {  	_ =	shalt  }
0x78: {  	_ =	shalt  }
0x79: {  	_ =	shalt  }
0x7a: {  	_ =	shalt  }
0x7b: {  	_ =	shalt  }
0x7c: {  	_ =	shalt  }
0x7d: {  	_ =	shalt  }
0x7e: {  	_ =	shalt  }
0x7f: {  	_ =	shalt  }
0x80: {  	_ =	shalt  }
0x81: {  	_ =	shalt  }
0x82: {  	_ =	shalt  }
0x83: {  	_ =	shalt  }
0x84: {  	_ =	shalt  }
0x85: {  	_ =	shalt  }
0x86: {  	_ =	shalt  }
0x87: {  	_ =	shalt  }
.Lfunc_end0:
.L_simem_size_0:
called_computation_lowered:
.L_overlay_start_0:
0x88: {  	s2 =	sld [smem:$0x3FD9]  }
0x89: {  	s3 =	sld [smem:$0x3FFE];
	_ =	sdelay $0x1  }
0x8a: {  	s1 =	srdreg.scid  }
0x8b: {  	s0 =	sand.u32 $0x1, s1  }
0x8c: {  	s14 =	sshll.u32 s0, $0xA;
	s2 =	sadd.s32 s3, s2  }
0x8d: {  	s2 =	sadd.s32 s2, s14  }
0x8e: {  	[smem:$0x3FC3] =	sst s2  }
0x8f: {  	_ = 	snop  }
0x90: {  	s2 =	sld [smem:$0x3FC9]  }
0x91: {  	s15 =	sld [smem:$0x3FD0]  }
0x92: {  	s4 =	sld [smem:$0x3FC8]  }
0x93: {  	s5 =	sld [smem:$0x3FC6]  }
0x94: {  	s7 =	simm.s32 $0xA;
	s8 =	simm.s32 $0x10;
	s6 =	sld [smem:$0x3FC5]  }
0x95: {  	[smem:s8], [sflag:s7] =	dma.local [hbm:s15], $0x1  }
0x96: {  	_ =	swait.eq [sflag:s7], $0x1  }
0x97: {  	[sflag:s7] =	ssyncset.done $0x0  }
0x98: {  	[sflag:s7] =	ssyncadd.s32 $0xFFFFFFFF  }
0x99: {  	s16 =	sld [smem:$0x11];
	(tm) =	ssettm $0x1  }
0x9a: {  	s17 =	sld [smem:$0x3FFB];
	_ =	sdelay $0x3  }
0x9b: {  	_ =	strace s17  }
0x9c: {  	s7 =	sld [smem:$0x3FFC];
	_ =	sdelay $0x3  }
0x9d: {  	_ =	strace s7  }
0x9e: {  	s7 =	sld [smem:$0x3FFD];
	_ =	sdelay $0x3  }
0x9f: {  	_ =	strace s7  }
0xa0: {  	_ =	strace $0x8FFFFFFF  }
0xa1: {  	s18 =	sld [smem:$0x3FDB];
	_ =	sdelay $0x1  }
0xa2: {  	s19 =	simm.s32 $_scs_section_size  }
0xa3: {  	s9 =	simm.s32 $_size__tile_overlayer_lowered;
	s10 =	simm.s32 $_tile_overlayer_lowered  }
0xa4: {  	s22 =	simm.s32 $0x1BFF;
	s21 =	sshll.u32 s10, $0x1;
	s7 =	sadd.s32 s19, s18  }
0xa5: {  	s11 =	simm.s32 $0x0;
	s20 =	sshll.u32 s9, $0x1;
	s9 =	sadd.s32 s21, s7  }
0xa6: {  	[timem:s11], [sflag:s22] =	dma.local [hbm:s9], s20  }
0xa7: {  	_ =	swait.ge [sflag:s22], s20  }
0xa8: {  	s8 =	ssub.s32 $0x0, s20;
	[sflag:s22] =	ssyncset.done $0x0  }
0xa9: {  	[sflag:s22] =	ssyncadd.s32 s8;
	_ =	sdelay $0x1  }
0xaa: {  	s23 =	simm.s32 $0x1B8B  }
0xab: {  	_ =	swait.ge [sflag:s23], $0x1  }
0xac: {  	[sflag:s23] =	ssyncset.done $0x0  }
0xad: {  	s25 =	simm.s32 $0x1B8E;
	s24 =	sld [smem:$0x3FFE];
	[sflag:s23] =	ssyncadd.s32 $0xFFFFFFFF  }
0xae: {  	s26 =	simm.s32 $execute0_lowered;
	[smem:$0x3FD2] =	sst s25  }
0xaf: {  	s9 =	sshll.u32 s26, $0x1;
	_ =	strace $0x80000046;
	[dreg:$0x1] =	wrdreg $0xFFFFFFFF  }
0xb0: {  	s28 =	simm.s32 $_size_execute0_lowered;
	s7 =	sadd.s32 s7, s9;
	[dreg:$0x0] =	wrdreg $0x0  }
0xb1: {  	s9 =	sshll.u32 s28, $0x1;
	[dreg:$0x2] =	wrdreg s7  }
0xb2: {  	[dreg:$0x3] =	wrdreg s9  }
0xb3: {  	[dreg:$0x4] =	wrdreg $0xC0  }
0xb4: {  	_ =	task [dreg:s11], $0x5FFFF  }
0xb5: {  	[dreg:$0x1] =	wrdreg $0xFFFFFFFF  }
0xb6: {  	[dreg:$0x0] =	wrdreg $0x60  }
0xb7: {  	[dreg:$0x2] =	wrdreg s2  }
0xb8: {  	[dreg:$0x3] =	wrdreg s4  }
0xb9: {  	[dreg:$0x4] =	wrdreg s5  }
0xba: {  	[dreg:$0x5] =	wrdreg s6  }
0xbb: {  	[dreg:$0x6] =	wrdreg s16  }
0xbc: {  	[dreg:$0x7] =	wrdreg s24  }
0xbd: {  	[dreg:$0x8] =	wrdreg $0x9  }
0xbe: {  	_ =	task.clear_ibuf [dreg:s11], $0x9FFFF;
	_ =	strace $0x90000046  }
0xbf: {  	s29 =	simm.s32 $0x9;
	_ =	strace $0x80000048  }
0xc0: {  	_ =	swait.ge [sflag:s29], $0x1  }
0xc1: {  	[sflag:s29] =	ssyncadd.s32 $0xFFFFFFFF  }
0xc2: {  	_ =	strace $0x90000048  }
0xc3: {  	_ =	sfence  }
0xc4: {  	s30 =	sld [smem:$0x0];
	_ =	sdelay $0x2  }
0xc5: {  	s31 =	sshll.u32 s1, $0xD;
	s1 =	sshrl.u32 s1, $0x2  }
0xc6: {  	s3 =	sand.u32 $0x4000, s31;
	s1 =	sadd.s32 s1, s30  }
0xc7: {  	s0 =	sor.u32 s3, s0;
	s1 =	sshll.u32 s1, $0x11  }
0xc8: {  	s0 =	sor.u32 s1, s0  }
0xc9: {  	s0 =	sadd.s32 $0x8F2B, s0  }
0xca: {  	[sflag:s0] =	ssyncadd.remote.s32 $0x1  }
0xcb: {  	_ =	sfence.sel $0xFFFF  }
0xcc: {  	[dreg:$0x0] =	wrdreg $0xFFFFFFFF;
	(pc) =	sbr.abs _section_cstart, $3  }
0xcd: {  	[dreg:$0x1] =	wrdreg $0xFFFFFFFF  }
0xce: {  	_ =	task.clear_ibuf [dreg:s11], $0x2FFFF;
	_ =	strace $0x9FFFFFFF  }
0xcf: {  	(tm) =	ssettm $0x7FFFFFFF  }
tec
execute0_lowered:
.L_overlay_start_1:
0x0: {  	(tag) =	ssettag $0x1  }
0x1: {  	s8 =	rddreg [dreg:$0x0]  }
0x2: {  	s10 =	rddreg [dreg:$0x1]  }
0x3: {  	s1 =	rddreg [dreg:$0x2]  }
0x4: {  	s3 =	rddreg [dreg:$0x3]  }
0x5: {  	s25 =	rddreg [dreg:$0x4];
	s4 =	srdreg.scid  }
0x6: {  	s23 =	rddreg [dreg:$0x5];
	s2 =	stileid.u32;
	s30 =	sand.u32 $0x1, s4  }
0x7: {  	s4 =	simm.s32 $0x0;
	s5 =	sshll.u32 s2, $0x7;
	s6 =	sshll.u32 s30, $0x6  }
0x8: {  	[smem:$0x7FF] =	sst s4;
	s24 =	sor.u32 s6, s5  }
0x9: {  	s0 =	rddreg [dreg:$0x6];
	_ =	strace $0x80000047;
	s5 =	sadd.s32 s8, s24  }
0xa: {  	[tilespmem:s4], [sflag:$0x1] =	stream.linear.gather [hbm4b:s5+s4], $0x100, $0x38;
	[tilespmem:$0x800] =	vst v63  }
0xb: {  	s7 =	simm.s32 $0x200;
	s6 =	sadd.s32 s10, s24;
	s28 =	sor.u32 $0x20, s24  }
0xc: {  	[tilespmem:s7], [sflag:$0x3] =	stream.linear.gather [hbm4b:s6+s4], $0x100, $0x38;
	[tilespmem:$0x800] =	vst v63  }
0xd: {  	s9 =	simm.s32 $0x100;
	s8 =	sadd.s32 s8, s28  }
0xe: {  	[tilespmem:s9], [sflag:$0x2] =	stream.linear.gather [hbm4b:s8+s4], $0x100, $0x38;
	[tilespmem:$0x800] =	vst v63  }
0xf: {  	s11 =	simm.s32 $0x300;
	s12 =	simm.s32 $0x1;
	s10 =	sadd.s32 s10, s28  }
0x10: {  	[tilespmem:s11], [sflag:$0x4] =	stream.linear.gather [hbm4b:s10+s4], $0x100, $0x38;
	[tilespmem:$0x800] =	vst v63  }
0x11: {  	_ =	swait.ge [sflag:s12], $0x100  }
0x12: {  	[sflag:s12] =	ssyncset.done $0x0  }
0x13: {  	s13 =	simm.s32 $0x400;
	s14 =	simm.s32 $0x3;
	[sflag:s12] =	ssyncadd.s32 $0xFFFFFF00  }
0x14: {  	[tilespmem:s13], [sflag:$0x5] =	stream.indirect.gather [hbm4b:s1+s9], $0x1, s4, s9, $0xb8;
	[tilespmem:$0x800] =	vst v63  }
0x15: {  	_ =	swait.ge [sflag:s14], $0x100  }
0x16: {  	[sflag:s14] =	ssyncset.done $0x0  }
0x17: {  	s15 =	simm.s32 $0x600;
	s16 =	simm.s32 $0x2;
	[sflag:s14] =	ssyncadd.s32 $0xFFFFFF00  }
0x18: {  	[tilespmem:s15], [sflag:$0x7] =	stream.indirect.gather [hbm4b:s3+s9], $0x1, s7, s9, $0xb8;
	[tilespmem:$0x800] =	vst v63  }
0x19: {  	_ =	swait.ge [sflag:s16], $0x100  }
0x1a: {  	[sflag:s16] =	ssyncset.done $0x0  }
0x1b: {  	s17 =	simm.s32 $0x500;
	s18 =	simm.s32 $0x4;
	[sflag:s16] =	ssyncadd.s32 $0xFFFFFF00  }
0x1c: {  	[tilespmem:s17], [sflag:$0x6] =	stream.indirect.gather [hbm4b:s1+s9], $0x1, s9, s9, $0xb8;
	[tilespmem:$0x800] =	vst v63  }
0x1d: {  	_ =	swait.ge [sflag:s18], $0x100  }
0x1e: {  	[sflag:s18] =	ssyncset.done $0x0  }
0x1f: {  	s19 =	simm.s32 $0x700;
	s20 =	simm.s32 $0x5;
	[sflag:s18] =	ssyncadd.s32 $0xFFFFFF00  }
0x20: {  	[tilespmem:s19], [sflag:$0x8] =	stream.indirect.gather [hbm4b:s3+s9], $0x1, s11, s9, $0xb8;
	[tilespmem:$0x800] =	vst v63  }
0x21: {  	_ =	swait.ge [sflag:s20], $0x100  }
0x22: {  	[sflag:s20] =	ssyncset.done $0x0  }
0x23: {  	s22 =	simm.s32 $0x7;
	s21 =	sadd.s32 s25, s24;
	[sflag:s20] =	ssyncadd.s32 $0xFFFFFF00  }
0x24: {  	[hbm4b:s21+s4] =	stream.linear.scatter [tilespmem:s13], [sflag:$0x9], $0x100, $0x38;
	[tilespmem:$0x800] =	vst v63  }
0x25: {  	_ =	swait.ge [sflag:s22], $0x100  }
0x26: {  	s29 =	sadd.s32 $0x1000, s23;
	[sflag:s22] =	ssyncset.done $0x0  }
0x27: {  	s23 =	sadd.s32 s29, s24;
	s24 =	simm.s32 $0x6;
	[sflag:s22] =	ssyncadd.s32 $0xFFFFFF00  }
0x28: {  	[hbm4b:s23+s4] =	stream.linear.scatter [tilespmem:s15], [sflag:$0x9], $0x100, $0x38;
	[tilespmem:$0x800] =	vst v63  }
0x29: {  	_ =	swait.ge [sflag:s24], $0x100  }
0x2a: {  	[sflag:s24] =	ssyncset.done $0x0  }
0x2b: {  	s26 =	simm.s32 $0x8;
	s25 =	sadd.s32 s25, s28;
	[sflag:s24] =	ssyncadd.s32 $0xFFFFFF00  }
0x2c: {  	[hbm4b:s25+s4] =	stream.linear.scatter [tilespmem:s17], [sflag:$0x9], $0x100, $0x38;
	[tilespmem:$0x800] =	vst v63  }
0x2d: {  	_ =	swait.ge [sflag:s26], $0x100  }
0x2e: {  	[sflag:s26] =	ssyncset.done $0x0  }
0x2f: {  	s28 =	sadd.s32 s29, s28;
	s29 =	simm.s32 $0x9;
	[sflag:s26] =	ssyncadd.s32 $0xFFFFFF00  }
0x30: {  	[hbm4b:s28+s4] =	stream.linear.scatter [tilespmem:s19], [sflag:$0x9], $0x100, $0x38;
	[tilespmem:$0x800] =	vst v63  }
0x31: {  	_ =	swait.ge [sflag:s29], $0x100  }
0x32: {  	s30 =	ssub.s32 $0x2, s30;
	[sflag:s29] =	ssyncset.done $0x0  }
0x33: {  	s31 =	sshrl.u32 s30, $0x1;
	[sflag:s29] =	ssyncadd.s32 $0xFFFFFF00  }
0x34: {  	s30 =	ssub.s32 s30, s31;
	_ =	swait.ge [sflag:s29], $0x100  }
0x35: {  	s30 =	smax.u32 s30, $0x1;
	[sflag:s29] =	ssyncset.done $0x0  }
0x36: {  	p0 =	sne.s32 s30, $0x1;
	[sflag:s29] =	ssyncadd.s32 $0xFFFFFF00  }
.Ltmp0:
0x37: {  	_ =	swait.ge [sflag:s29], $0x100;
	(pc) =	sbr.rel @!p0 .LBB2_2-.Ltmp0, $4  }
0x38: {  	[sflag:s29] =	ssyncset.done $0x0  }
0x39: {  	[sflag:s29] =	ssyncadd.s32 $0xFFFFFF00  }
0x3a: {  	_ =	swait.ge [sflag:s29], $0x100  }
0x3b: {  	s30 =	sadd.s32 $0xFFFFFFFF, s30;
	[sflag:s29] =	ssyncset.done $0x0  }
.LBB2_1:
0x3c: {  	p0 =	sne.s32 s30, $0x1;
	s30 =	sadd.s32 $0xFFFFFFFF, s30;
	[sflag:s29] =	ssyncadd.s32 $0xFFFFFF00  }
0x3d: {  	[tilespmem:s4], [sflag:$0x1] =	stream.linear.gather [hbm4b:s5+s4], $0x100, $0x38;
	[tilespmem:$0x800] =	vst v63  }
0x3e: {  	_ = 	snop  }
0x3f: {  	[tilespmem:s7], [sflag:$0x3] =	stream.linear.gather [hbm4b:s6+s4], $0x100, $0x38;
	[tilespmem:$0x800] =	vst v63  }
0x40: {  	_ = 	snop  }
0x41: {  	[tilespmem:s9], [sflag:$0x2] =	stream.linear.gather [hbm4b:s8+s4], $0x100, $0x38;
	[tilespmem:$0x800] =	vst v63  }
0x42: {  	_ = 	snop  }
0x43: {  	[tilespmem:s11], [sflag:$0x4] =	stream.linear.gather [hbm4b:s10+s4], $0x100, $0x38;
	[tilespmem:$0x800] =	vst v63  }
0x44: {  	_ =	swait.ge [sflag:s12], $0x100  }
0x45: {  	[sflag:s12] =	ssyncset.done $0x0  }
0x46: {  	[sflag:s12] =	ssyncadd.s32 $0xFFFFFF00  }
0x47: {  	[tilespmem:s13], [sflag:$0x5] =	stream.indirect.gather [hbm4b:s1+s9], $0x1, s4, s9, $0xb8;
	[tilespmem:$0x800] =	vst v63  }
0x48: {  	_ =	swait.ge [sflag:s14], $0x100  }
0x49: {  	[sflag:s14] =	ssyncset.done $0x0  }
0x4a: {  	[sflag:s14] =	ssyncadd.s32 $0xFFFFFF00  }
0x4b: {  	[tilespmem:s15], [sflag:$0x7] =	stream.indirect.gather [hbm4b:s3+s9], $0x1, s7, s9, $0xb8;
	[tilespmem:$0x800] =	vst v63  }
0x4c: {  	_ =	swait.ge [sflag:s16], $0x100  }
0x4d: {  	[sflag:s16] =	ssyncset.done $0x0  }
0x4e: {  	[sflag:s16] =	ssyncadd.s32 $0xFFFFFF00  }
0x4f: {  	[tilespmem:s17], [sflag:$0x6] =	stream.indirect.gather [hbm4b:s1+s9], $0x1, s9, s9, $0xb8;
	[tilespmem:$0x800] =	vst v63  }
0x50: {  	_ =	swait.ge [sflag:s18], $0x100  }
0x51: {  	[sflag:s18] =	ssyncset.done $0x0  }
0x52: {  	[sflag:s18] =	ssyncadd.s32 $0xFFFFFF00  }
0x53: {  	[tilespmem:s19], [sflag:$0x8] =	stream.indirect.gather [hbm4b:s3+s9], $0x1, s11, s9, $0xb8;
	[tilespmem:$0x800] =	vst v63  }
0x54: {  	_ =	swait.ge [sflag:s20], $0x100  }
0x55: {  	[sflag:s20] =	ssyncset.done $0x0  }
0x56: {  	[sflag:s20] =	ssyncadd.s32 $0xFFFFFF00  }
0x57: {  	[hbm4b:s21+s4] =	stream.linear.scatter [tilespmem:s13], [sflag:$0x9], $0x100, $0x38;
	[tilespmem:$0x800] =	vst v63  }
0x58: {  	_ =	swait.ge [sflag:s22], $0x100  }
0x59: {  	[sflag:s22] =	ssyncset.done $0x0  }
0x5a: {  	[sflag:s22] =	ssyncadd.s32 $0xFFFFFF00  }
0x5b: {  	[hbm4b:s23+s4] =	stream.linear.scatter [tilespmem:s15], [sflag:$0x9], $0x100, $0x38;
	[tilespmem:$0x800] =	vst v63  }
0x5c: {  	_ =	swait.ge [sflag:s24], $0x100  }
0x5d: {  	[sflag:s24] =	ssyncset.done $0x0  }
0x5e: {  	[sflag:s24] =	ssyncadd.s32 $0xFFFFFF00  }
0x5f: {  	[hbm4b:s25+s4] =	stream.linear.scatter [tilespmem:s17], [sflag:$0x9], $0x100, $0x38;
	[tilespmem:$0x800] =	vst v63  }
0x60: {  	_ =	swait.ge [sflag:s26], $0x100  }
0x61: {  	[sflag:s26] =	ssyncset.done $0x0  }
0x62: {  	[sflag:s26] =	ssyncadd.s32 $0xFFFFFF00  }
0x63: {  	[hbm4b:s28+s4] =	stream.linear.scatter [tilespmem:s19], [sflag:$0x9], $0x100, $0x38;
	[tilespmem:$0x800] =	vst v63  }
0x64: {  	_ =	swait.ge [sflag:s29], $0x100  }
0x65: {  	[sflag:s29] =	ssyncset.done $0x0  }
0x66: {  	[sflag:s29] =	ssyncadd.s32 $0xFFFFFF00  }
0x67: {  	_ =	swait.ge [sflag:s29], $0x100  }
0x68: {  	[sflag:s29] =	ssyncset.done $0x0  }
0x69: {  	[sflag:s29] =	ssyncadd.s32 $0xFFFFFF00  }
.Ltmp1:
0x6a: {  	_ =	swait.ge [sflag:s29], $0x100;
	(pc) =	sbr.rel @p0 .LBB2_1-.Ltmp1, $4  }
0x6b: {  	[sflag:s29] =	ssyncset.done $0x0  }
0x6c: {  	[sflag:s29] =	ssyncadd.s32 $0xFFFFFF00  }
0x6d: {  	_ =	swait.ge [sflag:s29], $0x100  }
0x6e: {  	[sflag:s29] =	ssyncset.done $0x0  }
.LBB2_2:
0x6f: {  	[sflag:s29] =	ssyncadd.s32 $0xFFFFFF00  }
0x70: {  	_ =	sfence.sel $0x180000  }
0x71: {  	[bflag:$0x0] =	sbarrier.arrive $0xFFFF  }
0x72: {  	p0 =	sne.s32 s2, $0x0;
	_ =	strace $0x90000047  }
0x73: {  	s0 =	sadd.s32 @!p0 $0x100000, s0;
	[bflag:$0x2] =	sbarrier.arrive $0xFFFF  }
0x74: {  	[sflag:s0] =	ssyncadd.tile.s32 @!p0 $0x1;
	_ =	shalt  }
.Lfunc_end2:
_tile_overlayer_lowered:
.L_overlay_start_2:
0x75: {  	(tag) =	ssettag $0x2  }
0x76: {  	s0 =	rddreg [dreg:$0x0];
	s2 =	stileid.u32  }
0x77: {  	s1 =	rddreg [dreg:$0x1];
	p0 =	sne.s32 s2, $0x0  }
0x78: {  	s3 =	rddreg [dreg:$0x2];
	[bflag:$0x3] =	sbarrier.arrive $0xFFFF;
	s2 =	simm.s32 @!p0 $0x1C0A  }
0x79: {  	[timem:s3], [sflag:s2] =	dma.local @!p0 [hbm:s0], s1  }
0x7a: {  	s0 =	simm.s32 @!p0 $0xA  }
0x7b: {  	_ =	swait.ge @!p0 [sflag:s0], s1  }
0x7c: {  	s1 =	ssub.s32 @!p0 $0x0, s1;
	[sflag:s0] =	ssyncset.done @!p0 $0x0  }
0x7d: {  	[sflag:s0] =	ssyncadd.s32 @!p0 s1  }
0x7e: {  	[bflag:$0x3] =	sbarrier.arrive $0xFFFF  }
0x7f: {  	_ =	shalt  }

</sc_bundles>
